<compile_context>
chip_gen: v7x
topology: tpu7x:2x2x1
jax: 0.10.2.dev20260603
libtpu: 0.0.44.dev20260713+nightly
codegen_flags: <defaults>
</compile_context>

<pallas_src>
import functools

import jax
import jax.numpy as jnp
from jax import lax
from jax.experimental import pallas as pl
from jax.experimental.pallas import tpu as pltpu
from jax.experimental.pallas import tpu_sc as plsc

_VOCAB = 100000
_D = 128
_BATCH = 4096
_HIST = 200
_B_TOTAL = _BATCH * _HIST
_NC, _NS = 2, 16
_NW = _NC * _NS
_G = 128
_K = 2
_CHUNK = _K * _G
_B_PER_W = _B_TOTAL // _NW
_NIDX = _B_PER_W // _G
_NCH = _B_PER_W // _CHUNK
_NBUF = 3


_mesh = plsc.VectorSubcoreMesh(
    core_axis_name="c", subcore_axis_name="s", num_cores=_NC, num_subcores=_NS
)


@functools.partial(
    pl.kernel,
    out_type=jax.ShapeDtypeStruct((_B_TOTAL, _D), jnp.float32),
    mesh=_mesh,
    scratch_types=[
        pltpu.VMEM((_NIDX, _G), jnp.int32),
        [pltpu.VMEM((_CHUNK, _D), jnp.float32) for _ in range(_NBUF)],
        [pltpu.SemaphoreType.DMA for _ in range(_NBUF)],
        [pltpu.SemaphoreType.DMA for _ in range(_NBUF)],
    ],
)
def _emb_lookup(x_hbm, table_hbm, out_hbm, idx_v, rows, gsems, osems):
    wid = lax.axis_index("s") * _NC + lax.axis_index("c")
    out0 = wid * _B_PER_W

    pltpu.sync_copy(x_hbm.at[pl.ds(wid * _NIDX, _NIDX)], idx_v)

    def fire_gathers(b, ci):
        for j in range(_K):
            pltpu.async_copy(
                table_hbm.at[idx_v.at[ci * _K + j]],
                rows[b].at[pl.ds(j * _G, _G)],
                gsems[b],
            )

    def wait_gathers(b):
        pltpu.make_async_copy(out_hbm.at[pl.ds(0, _CHUNK)], rows[b], gsems[b]).wait()

    def fire_write(b, ci):
        pltpu.async_copy(rows[b], out_hbm.at[pl.ds(out0 + ci * _CHUNK, _CHUNK)], osems[b])

    def wait_write(b):
        pltpu.make_async_copy(rows[b], out_hbm.at[pl.ds(0, _CHUNK)], osems[b]).wait()

    fire_gathers(0, 0)

    def super_body(s, carry):
        for v in range(_NBUF):
            ci = s * _NBUF + v
            b = v
            bn = (v + 1) % _NBUF
            @pl.when(ci >= 2)
            def _():
                wait_write(bn)

            @pl.when(ci + 1 < _NCH)
            def _():
                fire_gathers(bn, ci + 1)

            wait_gathers(b)
            fire_write(b, ci)

        return carry

    lax.fori_loop(0, _NCH // _NBUF, super_body, 0)

    ci = _NCH - 1
    b = ci % _NBUF
    wait_gathers(b)
    fire_write(b, ci)

    wait_write((_NCH - 3) % _NBUF)
    wait_write((_NCH - 2) % _NBUF)
    wait_write((_NCH - 1) % _NBUF)


def kernel(x, table):
    xr = x.astype(jnp.int32).reshape(_B_TOTAL // _G, _G)
    out = _emb_lookup(xr, table)
    return out.reshape(_BATCH, _HIST, _D)

# --- scband reference (transcript-rebuilt; emitter-appended) ---
"""Pipeline reference for scband-embeddings-47880295416100 (READ-ONLY COPY).

The authoritative reference and input builder live on the scoring server;
editing this copy changes nothing except your own understanding.
"""

import jax, jax.numpy as jnp
import numpy as np

VOCAB = 100000
EMBED_DIM = 128
BATCH = 4096
HIST = 200

def setup_inputs(seed: int = 0) -> dict:
    key = jax.random.key(seed)
    k_idx, k_tab = jax.random.split(key)
    x = jax.random.randint(k_idx, (BATCH, HIST), 0, VOCAB, dtype=jnp.int64 if jax.config.jax_enable_x64 else jnp.int32)
    table = jax.random.normal(k_tab, (VOCAB, EMBED_DIM), dtype=jnp.float32)
    return {"x": x, "table": table}

def reference(x, table):
    # Embeddings.forward: embedding lookup; dropout p=0.0 so it is a no-op
    embeddings = jnp.take(table, x, axis=0)
    return embeddings

if __name__ == "__main__":
    import jax
    _d = setup_inputs()
    print(jax.jit(kernel)(*tuple(_d.values())))

</pallas_src>

<mosaic_0001>
#map = affine_map<(d0, d1) -> (0, 0)>
module attributes {stable_mosaic.version = 14 : i64} {
  func.func @_emb_lookup(%arg0: i32, %arg1: i32, %arg2: memref<6400x128xi32, #tpu.memory_space<hbm>>, %arg3: memref<100000x128xf32, #tpu.memory_space<hbm>>, %arg4: memref<819200x128xf32, #tpu.memory_space<hbm>>, %arg5: memref<200x128xi32, #tpu.memory_space<vmem>>, %arg6: memref<256x128xf32, #tpu.memory_space<vmem>>, %arg7: memref<256x128xf32, #tpu.memory_space<vmem>>, %arg8: memref<256x128xf32, #tpu.memory_space<vmem>>, %arg9: memref<!tpu.dma_semaphore, #tpu.memory_space<semaphore_mem>>, %arg10: memref<!tpu.dma_semaphore, #tpu.memory_space<semaphore_mem>>, %arg11: memref<!tpu.dma_semaphore, #tpu.memory_space<semaphore_mem>>, %arg12: memref<!tpu.dma_semaphore, #tpu.memory_space<semaphore_mem>>, %arg13: memref<!tpu.dma_semaphore, #tpu.memory_space<semaphore_mem>>, %arg14: memref<!tpu.dma_semaphore, #tpu.memory_space<semaphore_mem>>) attributes {dimension_semantics = [#tpu.dimension_semantics<core_parallel>, #tpu.dimension_semantics<subcore_parallel>], iteration_bounds = array<i64: 2, 16>, scalar_prefetch = 0 : i64, scratch_operands = 10 : i64, tpu.core_type = #tpu.core_type<sc_vector_subcore>, window_params = [{transform_indices = #map}, {transform_indices = #map}, {transform_indices = #map}]} {
    %mul3A = arith.constant 2 : i32
    %mul3A_0 = arith.muli %arg1, %mul3A : i32
    %add3A = arith.addi %mul3A_0, %arg0 : i32
    %mul3A_1 = arith.constant 25600 : i32
    %mul3A_2 = arith.muli %add3A, %mul3A_1 : i32
    %mul3A_3 = arith.constant 200 : i32
    %mul3A_4 = arith.muli %add3A, %mul3A_3 : i32
    "tpu.region"() ({
      %run_scoped3A = tpu.sem_alloc : memref<!tpu.dma_semaphore, #tpu.memory_space<semaphore_mem>>
      %dma_start3A_58 = arith.constant 0 : i32
      %dma_start3A_59 = tpu.memref_slice %arg2[%mul3A_4, %dma_start3A_58] : memref<6400x128xi32, #tpu.memory_space<hbm>> -> memref<200x128xi32, #tpu.memory_space<hbm>>
      %dma_start3A_60 = arith.constant 0 : i32
      %dma_start3A_61 = tpu.memref_slice %arg2[%mul3A_4, %dma_start3A_60] : memref<6400x128xi32, #tpu.memory_space<hbm>> -> memref<200x128xi32, #tpu.memory_space<hbm>>
      tpu.enqueue_dma source(%dma_start3A_61 : memref<200x128xi32, #tpu.memory_space<hbm>>) target(%arg5 : memref<200x128xi32, #tpu.memory_space<vmem>>) target_semaphore(%run_scoped3A : memref<!tpu.dma_semaphore, #tpu.memory_space<semaphore_mem>>)
      %dma_wait3A_62 = arith.constant 0 : i32
      %dma_wait3A_63 = tpu.memref_slice %arg2[%mul3A_4, %dma_wait3A_62] : memref<6400x128xi32, #tpu.memory_space<hbm>> -> memref<200x128xi32, #tpu.memory_space<hbm>>
      %dma_wait3A_64 = arith.constant 0 : i32
      %dma_wait3A_65 = tpu.memref_slice %arg2[%mul3A_4, %dma_wait3A_64] : memref<6400x128xi32, #tpu.memory_space<hbm>> -> memref<200x128xi32, #tpu.memory_space<hbm>>
      tpu.wait_dma2 semaphore(%run_scoped3A : memref<!tpu.dma_semaphore, #tpu.memory_space<semaphore_mem>>) src(%dma_wait3A_65 : memref<200x128xi32, #tpu.memory_space<hbm>>) dst(%arg5 : memref<200x128xi32, #tpu.memory_space<vmem>>)
      tpu.yield
    }) : () -> ()
    %dma_start3A = arith.constant 0 : i32
    %dma_start3A_5 = arith.constant 0 : i32
    %dma_start3A_6 = arith.constant 0 : i32
    %dma_start3A_7 = tpu.memref_slice %arg6[%dma_start3A_5, %dma_start3A_6] : memref<256x128xf32, #tpu.memory_space<vmem>> -> memref<128x128xf32, #tpu.memory_space<vmem>>
    %dma_start3A_8 = arith.constant 0 : i32
    %dma_start3A_9 = tpu.memref_slice %arg5[%dma_start3A, %dma_start3A_8] : memref<200x128xi32, #tpu.memory_space<vmem>> -> memref<1x128xi32, #tpu.memory_space<vmem>>
    %dma_start3A_10 = tpu.memref_squeeze %dma_start3A_9 : memref<1x128xi32, #tpu.memory_space<vmem>> -> memref<128xi32, #tpu.memory_space<vmem>>
    %dma_start3A_11 = arith.constant 0 : i32
    %dma_start3A_12 = arith.constant 0 : i32
    %dma_start3A_13 = tpu.memref_slice %arg3[%dma_start3A_11, %dma_start3A_12] : memref<100000x128xf32, #tpu.memory_space<hbm>> -> memref<100000x128xf32, #tpu.memory_space<hbm>>
    tpu.enqueue_indirect_dma source(%dma_start3A_13 : memref<100000x128xf32, #tpu.memory_space<hbm>>) target(%dma_start3A_7 : memref<128x128xf32, #tpu.memory_space<vmem>>) offsets(%dma_start3A_10 : memref<128xi32, #tpu.memory_space<vmem>>) semaphore(%arg9 : memref<!tpu.dma_semaphore, #tpu.memory_space<semaphore_mem>>)
    %dma_start3A_14 = arith.constant 1 : i32
    %dma_start3A_15 = arith.constant 128 : i32
    %dma_start3A_16 = arith.constant 0 : i32
    %dma_start3A_17 = tpu.memref_slice %arg6[%dma_start3A_15, %dma_start3A_16] : memref<256x128xf32, #tpu.memory_space<vmem>> -> memref<128x128xf32, #tpu.memory_space<vmem>>
    %dma_start3A_18 = arith.constant 0 : i32
    %dma_start3A_19 = tpu.memref_slice %arg5[%dma_start3A_14, %dma_start3A_18] : memref<200x128xi32, #tpu.memory_space<vmem>> -> memref<1x128xi32, #tpu.memory_space<vmem>>
    %dma_start3A_20 = tpu.memref_squeeze %dma_start3A_19 : memref<1x128xi32, #tpu.memory_space<vmem>> -> memref<128xi32, #tpu.memory_space<vmem>>
    %dma_start3A_21 = arith.constant 0 : i32
    %dma_start3A_22 = arith.constant 0 : i32
    %dma_start3A_23 = tpu.memref_slice %arg3[%dma_start3A_21, %dma_start3A_22] : memref<100000x128xf32, #tpu.memory_space<hbm>> -> memref<100000x128xf32, #tpu.memory_space<hbm>>
    tpu.enqueue_indirect_dma source(%dma_start3A_23 : memref<100000x128xf32, #tpu.memory_space<hbm>>) target(%dma_start3A_17 : memref<128x128xf32, #tpu.memory_space<vmem>>) offsets(%dma_start3A_20 : memref<128xi32, #tpu.memory_space<vmem>>) semaphore(%arg9 : memref<!tpu.dma_semaphore, #tpu.memory_space<semaphore_mem>>)
    %scan3A = arith.constant 0 : i32
    %scan3A_24 = arith.constant 0 : i32
    %scan3A_25 = arith.constant 33 : i32
    %scan3A_26 = arith.addi %scan3A_24, %scan3A_25 : i32
    %scan3A_27 = arith.constant 1 : i32
    scf.for %scan3A_58 = %scan3A_24 to %scan3A_26 step %scan3A_27  : i32 {
      %mul3A_59 = arith.constant 3 : i32
      %mul3A_60 = arith.muli %scan3A_58, %mul3A_59 : i32
      %add3A_61 = arith.constant 0 : i32
      %add3A_62 = arith.addi %mul3A_60, %add3A_61 : i32
      %ge3A = arith.constant 2 : i32
      %ge3A_63 = arith.cmpi sge, %add3A_62, %ge3A : i32
      %convert_element_type3A = arith.extui %ge3A_63 : i1 to i32
      %cond3A = arith.constant 0 : i32
      %cond3A_64 = arith.cmpi ne, %convert_element_type3A, %cond3A : i32
      scf.if %cond3A_64 {
        %dma_wait3A_142 = arith.constant 0 : i32
        %dma_wait3A_143 = arith.constant 0 : i32
        %dma_wait3A_144 = tpu.memref_slice %arg4[%dma_wait3A_142, %dma_wait3A_143] : memref<819200x128xf32, #tpu.memory_space<hbm>> -> memref<256x128xf32, #tpu.memory_space<hbm>>
        %dma_wait3A_145 = arith.constant 0 : i32
        %dma_wait3A_146 = arith.constant 0 : i32
        %dma_wait3A_147 = tpu.memref_slice %arg4[%dma_wait3A_145, %dma_wait3A_146] : memref<819200x128xf32, #tpu.memory_space<hbm>> -> memref<256x128xf32, #tpu.memory_space<hbm>>
        tpu.wait_dma2 semaphore(%arg13 : memref<!tpu.dma_semaphore, #tpu.memory_space<semaphore_mem>>) src(%arg7 : memref<256x128xf32, #tpu.memory_space<vmem>>) dst(%dma_wait3A_147 : memref<256x128xf32, #tpu.memory_space<hbm>>)
      } else {
      }
      %add3A_65 = arith.constant 1 : i32
      %add3A_66 = arith.addi %add3A_62, %add3A_65 : i32
      %lt3A = arith.constant 100 : i32
      %lt3A_67 = arith.cmpi slt, %add3A_66, %lt3A : i32
      %convert_element_type3A_68 = arith.extui %lt3A_67 : i1 to i32
      %cond3A_69 = arith.constant 0 : i32
      %cond3A_70 = arith.cmpi ne, %convert_element_type3A_68, %cond3A_69 : i32
      scf.if %cond3A_70 {
        %add3A_142 = arith.constant 1 : i32
        %add3A_143 = arith.addi %add3A_62, %add3A_142 : i32
        %mul3A_144 = arith.constant 2 : i32
        %mul3A_145 = arith.muli %add3A_143, %mul3A_144 : i32
        %add3A_146 = arith.constant 0 : i32
        %add3A_147 = arith.addi %mul3A_145, %add3A_146 : i32
        %dma_start3A_148 = arith.constant 0 : i32
        %dma_start3A_149 = arith.constant 0 : i32
        %dma_start3A_150 = tpu.memref_slice %arg7[%dma_start3A_148, %dma_start3A_149] : memref<256x128xf32, #tpu.memory_space<vmem>> -> memref<128x128xf32, #tpu.memory_space<vmem>>
        %dma_start3A_151 = arith.constant 0 : i32
        %dma_start3A_152 = tpu.memref_slice %arg5[%add3A_147, %dma_start3A_151] : memref<200x128xi32, #tpu.memory_space<vmem>> -> memref<1x128xi32, #tpu.memory_space<vmem>>
        %dma_start3A_153 = tpu.memref_squeeze %dma_start3A_152 : memref<1x128xi32, #tpu.memory_space<vmem>> -> memref<128xi32, #tpu.memory_space<vmem>>
        %dma_start3A_154 = arith.constant 0 : i32
        %dma_start3A_155 = arith.constant 0 : i32
        %dma_start3A_156 = tpu.memref_slice %arg3[%dma_start3A_154, %dma_start3A_155] : memref<100000x128xf32, #tpu.memory_space<hbm>> -> memref<100000x128xf32, #tpu.memory_space<hbm>>
        tpu.enqueue_indirect_dma source(%dma_start3A_156 : memref<100000x128xf32, #tpu.memory_space<hbm>>) target(%dma_start3A_150 : memref<128x128xf32, #tpu.memory_space<vmem>>) offsets(%dma_start3A_153 : memref<128xi32, #tpu.memory_space<vmem>>) semaphore(%arg10 : memref<!tpu.dma_semaphore, #tpu.memory_space<semaphore_mem>>)
        %mul3A_157 = arith.constant 2 : i32
        %mul3A_158 = arith.muli %add3A_143, %mul3A_157 : i32
        %add3A_159 = arith.constant 1 : i32
        %add3A_160 = arith.addi %mul3A_158, %add3A_159 : i32
        %dma_start3A_161 = arith.constant 128 : i32
        %dma_start3A_162 = arith.constant 0 : i32
        %dma_start3A_163 = tpu.memref_slice %arg7[%dma_start3A_161, %dma_start3A_162] : memref<256x128xf32, #tpu.memory_space<vmem>> -> memref<128x128xf32, #tpu.memory_space<vmem>>
        %dma_start3A_164 = arith.constant 0 : i32
        %dma_start3A_165 = tpu.memref_slice %arg5[%add3A_160, %dma_start3A_164] : memref<200x128xi32, #tpu.memory_space<vmem>> -> memref<1x128xi32, #tpu.memory_space<vmem>>
        %dma_start3A_166 = tpu.memref_squeeze %dma_start3A_165 : memref<1x128xi32, #tpu.memory_space<vmem>> -> memref<128xi32, #tpu.memory_space<vmem>>
        %dma_start3A_167 = arith.constant 0 : i32
        %dma_start3A_168 = arith.constant 0 : i32
        %dma_start3A_169 = tpu.memref_slice %arg3[%dma_start3A_167, %dma_start3A_168] : memref<100000x128xf32, #tpu.memory_space<hbm>> -> memref<100000x128xf32, #tpu.memory_space<hbm>>
        tpu.enqueue_indirect_dma source(%dma_start3A_169 : memref<100000x128xf32, #tpu.memory_space<hbm>>) target(%dma_start3A_163 : memref<128x128xf32, #tpu.memory_space<vmem>>) offsets(%dma_start3A_166 : memref<128xi32, #tpu.memory_space<vmem>>) semaphore(%arg10 : memref<!tpu.dma_semaphore, #tpu.memory_space<semaphore_mem>>)
      } else {
      }
      %dma_wait3A_71 = arith.constant 0 : i32
      %dma_wait3A_72 = arith.constant 0 : i32
      %dma_wait3A_73 = tpu.memref_slice %arg4[%dma_wait3A_71, %dma_wait3A_72] : memref<819200x128xf32, #tpu.memory_space<hbm>> -> memref<256x128xf32, #tpu.memory_space<hbm>>
      %dma_wait3A_74 = arith.constant 0 : i32
      %dma_wait3A_75 = arith.constant 0 : i32
      %dma_wait3A_76 = tpu.memref_slice %arg4[%dma_wait3A_74, %dma_wait3A_75] : memref<819200x128xf32, #tpu.memory_space<hbm>> -> memref<256x128xf32, #tpu.memory_space<hbm>>
      tpu.wait_dma2 semaphore(%arg9 : memref<!tpu.dma_semaphore, #tpu.memory_space<semaphore_mem>>) src(%dma_wait3A_76 : memref<256x128xf32, #tpu.memory_space<hbm>>) dst(%arg6 : memref<256x128xf32, #tpu.memory_space<vmem>>)
      %mul3A_77 = arith.constant 256 : i32
      %mul3A_78 = arith.muli %add3A_62, %mul3A_77 : i32
      %add3A_79 = arith.addi %mul3A_2, %mul3A_78 : i32
      %dma_start3A_80 = arith.constant 0 : i32
      %dma_start3A_81 = tpu.memref_slice %arg4[%add3A_79, %dma_start3A_80] : memref<819200x128xf32, #tpu.memory_space<hbm>> -> memref<256x128xf32, #tpu.memory_space<hbm>>
      %dma_start3A_82 = arith.constant 0 : i32
      %dma_start3A_83 = tpu.memref_slice %arg4[%add3A_79, %dma_start3A_82] : memref<819200x128xf32, #tpu.memory_space<hbm>> -> memref<256x128xf32, #tpu.memory_space<hbm>>
      tpu.enqueue_dma source(%arg6 : memref<256x128xf32, #tpu.memory_space<vmem>>) target(%dma_start3A_83 : memref<256x128xf32, #tpu.memory_space<hbm>>) target_semaphore(%arg12 : memref<!tpu.dma_semaphore, #tpu.memory_space<semaphore_mem>>)
      %mul3A_84 = arith.constant 3 : i32
      %mul3A_85 = arith.muli %scan3A_58, %mul3A_84 : i32
      %add3A_86 = arith.constant 1 : i32
      %add3A_87 = arith.addi %mul3A_85, %add3A_86 : i32
      %ge3A_88 = arith.constant 2 : i32
      %ge3A_89 = arith.cmpi sge, %add3A_87, %ge3A_88 : i32
      %convert_element_type3A_90 = arith.extui %ge3A_89 : i1 to i32
      %cond3A_91 = arith.constant 0 : i32
      %cond3A_92 = arith.cmpi ne, %convert_element_type3A_90, %cond3A_91 : i32
      scf.if %cond3A_92 {
        %dma_wait3A_142 = arith.constant 0 : i32
        %dma_wait3A_143 = arith.constant 0 : i32
        %dma_wait3A_144 = tpu.memref_slice %arg4[%dma_wait3A_142, %dma_wait3A_143] : memref<819200x128xf32, #tpu.memory_space<hbm>> -> memref<256x128xf32, #tpu.memory_space<hbm>>
        %dma_wait3A_145 = arith.constant 0 : i32
        %dma_wait3A_146 = arith.constant 0 : i32
        %dma_wait3A_147 = tpu.memref_slice %arg4[%dma_wait3A_145, %dma_wait3A_146] : memref<819200x128xf32, #tpu.memory_space<hbm>> -> memref<256x128xf32, #tpu.memory_space<hbm>>
        tpu.wait_dma2 semaphore(%arg14 : memref<!tpu.dma_semaphore, #tpu.memory_space<semaphore_mem>>) src(%arg8 : memref<256x128xf32, #tpu.memory_space<vmem>>) dst(%dma_wait3A_147 : memref<256x128xf32, #tpu.memory_space<hbm>>)
      } else {
      }
      %add3A_93 = arith.constant 1 : i32
      %add3A_94 = arith.addi %add3A_87, %add3A_93 : i32
      %lt3A_95 = arith.constant 100 : i32
      %lt3A_96 = arith.cmpi slt, %add3A_94, %lt3A_95 : i32
      %convert_element_type3A_97 = arith.extui %lt3A_96 : i1 to i32
      %cond3A_98 = arith.constant 0 : i32
      %cond3A_99 = arith.cmpi ne, %convert_element_type3A_97, %cond3A_98 : i32
      scf.if %cond3A_99 {
        %add3A_142 = arith.constant 1 : i32
        %add3A_143 = arith.addi %add3A_87, %add3A_142 : i32
        %mul3A_144 = arith.constant 2 : i32
        %mul3A_145 = arith.muli %add3A_143, %mul3A_144 : i32
        %add3A_146 = arith.constant 0 : i32
        %add3A_147 = arith.addi %mul3A_145, %add3A_146 : i32
        %dma_start3A_148 = arith.constant 0 : i32
        %dma_start3A_149 = arith.constant 0 : i32
        %dma_start3A_150 = tpu.memref_slice %arg8[%dma_start3A_148, %dma_start3A_149] : memref<256x128xf32, #tpu.memory_space<vmem>> -> memref<128x128xf32, #tpu.memory_space<vmem>>
        %dma_start3A_151 = arith.constant 0 : i32
        %dma_start3A_152 = tpu.memref_slice %arg5[%add3A_147, %dma_start3A_151] : memref<200x128xi32, #tpu.memory_space<vmem>> -> memref<1x128xi32, #tpu.memory_space<vmem>>
        %dma_start3A_153 = tpu.memref_squeeze %dma_start3A_152 : memref<1x128xi32, #tpu.memory_space<vmem>> -> memref<128xi32, #tpu.memory_space<vmem>>
        %dma_start3A_154 = arith.constant 0 : i32
        %dma_start3A_155 = arith.constant 0 : i32
        %dma_start3A_156 = tpu.memref_slice %arg3[%dma_start3A_154, %dma_start3A_155] : memref<100000x128xf32, #tpu.memory_space<hbm>> -> memref<100000x128xf32, #tpu.memory_space<hbm>>
        tpu.enqueue_indirect_dma source(%dma_start3A_156 : memref<100000x128xf32, #tpu.memory_space<hbm>>) target(%dma_start3A_150 : memref<128x128xf32, #tpu.memory_space<vmem>>) offsets(%dma_start3A_153 : memref<128xi32, #tpu.memory_space<vmem>>) semaphore(%arg11 : memref<!tpu.dma_semaphore, #tpu.memory_space<semaphore_mem>>)
        %mul3A_157 = arith.constant 2 : i32
        %mul3A_158 = arith.muli %add3A_143, %mul3A_157 : i32
        %add3A_159 = arith.constant 1 : i32
        %add3A_160 = arith.addi %mul3A_158, %add3A_159 : i32
        %dma_start3A_161 = arith.constant 128 : i32
        %dma_start3A_162 = arith.constant 0 : i32
        %dma_start3A_163 = tpu.memref_slice %arg8[%dma_start3A_161, %dma_start3A_162] : memref<256x128xf32, #tpu.memory_space<vmem>> -> memref<128x128xf32, #tpu.memory_space<vmem>>
        %dma_start3A_164 = arith.constant 0 : i32
        %dma_start3A_165 = tpu.memref_slice %arg5[%add3A_160, %dma_start3A_164] : memref<200x128xi32, #tpu.memory_space<vmem>> -> memref<1x128xi32, #tpu.memory_space<vmem>>
        %dma_start3A_166 = tpu.memref_squeeze %dma_start3A_165 : memref<1x128xi32, #tpu.memory_space<vmem>> -> memref<128xi32, #tpu.memory_space<vmem>>
        %dma_start3A_167 = arith.constant 0 : i32
        %dma_start3A_168 = arith.constant 0 : i32
        %dma_start3A_169 = tpu.memref_slice %arg3[%dma_start3A_167, %dma_start3A_168] : memref<100000x128xf32, #tpu.memory_space<hbm>> -> memref<100000x128xf32, #tpu.memory_space<hbm>>
        tpu.enqueue_indirect_dma source(%dma_start3A_169 : memref<100000x128xf32, #tpu.memory_space<hbm>>) target(%dma_start3A_163 : memref<128x128xf32, #tpu.memory_space<vmem>>) offsets(%dma_start3A_166 : memref<128xi32, #tpu.memory_space<vmem>>) semaphore(%arg11 : memref<!tpu.dma_semaphore, #tpu.memory_space<semaphore_mem>>)
      } else {
      }
      %dma_wait3A_100 = arith.constant 0 : i32
      %dma_wait3A_101 = arith.constant 0 : i32
      %dma_wait3A_102 = tpu.memref_slice %arg4[%dma_wait3A_100, %dma_wait3A_101] : memref<819200x128xf32, #tpu.memory_space<hbm>> -> memref<256x128xf32, #tpu.memory_space<hbm>>
      %dma_wait3A_103 = arith.constant 0 : i32
      %dma_wait3A_104 = arith.constant 0 : i32
      %dma_wait3A_105 = tpu.memref_slice %arg4[%dma_wait3A_103, %dma_wait3A_104] : memref<819200x128xf32, #tpu.memory_space<hbm>> -> memref<256x128xf32, #tpu.memory_space<hbm>>
      tpu.wait_dma2 semaphore(%arg10 : memref<!tpu.dma_semaphore, #tpu.memory_space<semaphore_mem>>) src(%dma_wait3A_105 : memref<256x128xf32, #tpu.memory_space<hbm>>) dst(%arg7 : memref<256x128xf32, #tpu.memory_space<vmem>>)
      %mul3A_106 = arith.constant 256 : i32
      %mul3A_107 = arith.muli %add3A_87, %mul3A_106 : i32
      %add3A_108 = arith.addi %mul3A_2, %mul3A_107 : i32
      %dma_start3A_109 = arith.constant 0 : i32
      %dma_start3A_110 = tpu.memref_slice %arg4[%add3A_108, %dma_start3A_109] : memref<819200x128xf32, #tpu.memory_space<hbm>> -> memref<256x128xf32, #tpu.memory_space<hbm>>
      %dma_start3A_111 = arith.constant 0 : i32
      %dma_start3A_112 = tpu.memref_slice %arg4[%add3A_108, %dma_start3A_111] : memref<819200x128xf32, #tpu.memory_space<hbm>> -> memref<256x128xf32, #tpu.memory_space<hbm>>
      tpu.enqueue_dma source(%arg7 : memref<256x128xf32, #tpu.memory_space<vmem>>) target(%dma_start3A_112 : memref<256x128xf32, #tpu.memory_space<hbm>>) target_semaphore(%arg13 : memref<!tpu.dma_semaphore, #tpu.memory_space<semaphore_mem>>)
      %mul3A_113 = arith.constant 3 : i32
      %mul3A_114 = arith.muli %scan3A_58, %mul3A_113 : i32
      %add3A_115 = arith.constant 2 : i32
      %add3A_116 = arith.addi %mul3A_114, %add3A_115 : i32
      %ge3A_117 = arith.constant 2 : i32
      %ge3A_118 = arith.cmpi sge, %add3A_116, %ge3A_117 : i32
      %convert_element_type3A_119 = arith.extui %ge3A_118 : i1 to i32
      %cond3A_120 = arith.constant 0 : i32
      %cond3A_121 = arith.cmpi ne, %convert_element_type3A_119, %cond3A_120 : i32
      scf.if %cond3A_121 {
        %dma_wait3A_142 = arith.constant 0 : i32
        %dma_wait3A_143 = arith.constant 0 : i32
        %dma_wait3A_144 = tpu.memref_slice %arg4[%dma_wait3A_142, %dma_wait3A_143] : memref<819200x128xf32, #tpu.memory_space<hbm>> -> memref<256x128xf32, #tpu.memory_space<hbm>>
        %dma_wait3A_145 = arith.constant 0 : i32
        %dma_wait3A_146 = arith.constant 0 : i32
        %dma_wait3A_147 = tpu.memref_slice %arg4[%dma_wait3A_145, %dma_wait3A_146] : memref<819200x128xf32, #tpu.memory_space<hbm>> -> memref<256x128xf32, #tpu.memory_space<hbm>>
        tpu.wait_dma2 semaphore(%arg12 : memref<!tpu.dma_semaphore, #tpu.memory_space<semaphore_mem>>) src(%arg6 : memref<256x128xf32, #tpu.memory_space<vmem>>) dst(%dma_wait3A_147 : memref<256x128xf32, #tpu.memory_space<hbm>>)
      } else {
      }
      %add3A_122 = arith.constant 1 : i32
      %add3A_123 = arith.addi %add3A_116, %add3A_122 : i32
      %lt3A_124 = arith.constant 100 : i32
      %lt3A_125 = arith.cmpi slt, %add3A_123, %lt3A_124 : i32
      %convert_element_type3A_126 = arith.extui %lt3A_125 : i1 to i32
      %cond3A_127 = arith.constant 0 : i32
      %cond3A_128 = arith.cmpi ne, %convert_element_type3A_126, %cond3A_127 : i32
      scf.if %cond3A_128 {
        %add3A_142 = arith.constant 1 : i32
        %add3A_143 = arith.addi %add3A_116, %add3A_142 : i32
        %mul3A_144 = arith.constant 2 : i32
        %mul3A_145 = arith.muli %add3A_143, %mul3A_144 : i32
        %add3A_146 = arith.constant 0 : i32
        %add3A_147 = arith.addi %mul3A_145, %add3A_146 : i32
        %dma_start3A_148 = arith.constant 0 : i32
        %dma_start3A_149 = arith.constant 0 : i32
        %dma_start3A_150 = tpu.memref_slice %arg6[%dma_start3A_148, %dma_start3A_149] : memref<256x128xf32, #tpu.memory_space<vmem>> -> memref<128x128xf32, #tpu.memory_space<vmem>>
        %dma_start3A_151 = arith.constant 0 : i32
        %dma_start3A_152 = tpu.memref_slice %arg5[%add3A_147, %dma_start3A_151] : memref<200x128xi32, #tpu.memory_space<vmem>> -> memref<1x128xi32, #tpu.memory_space<vmem>>
        %dma_start3A_153 = tpu.memref_squeeze %dma_start3A_152 : memref<1x128xi32, #tpu.memory_space<vmem>> -> memref<128xi32, #tpu.memory_space<vmem>>
        %dma_start3A_154 = arith.constant 0 : i32
        %dma_start3A_155 = arith.constant 0 : i32
        %dma_start3A_156 = tpu.memref_slice %arg3[%dma_start3A_154, %dma_start3A_155] : memref<100000x128xf32, #tpu.memory_space<hbm>> -> memref<100000x128xf32, #tpu.memory_space<hbm>>
        tpu.enqueue_indirect_dma source(%dma_start3A_156 : memref<100000x128xf32, #tpu.memory_space<hbm>>) target(%dma_start3A_150 : memref<128x128xf32, #tpu.memory_space<vmem>>) offsets(%dma_start3A_153 : memref<128xi32, #tpu.memory_space<vmem>>) semaphore(%arg9 : memref<!tpu.dma_semaphore, #tpu.memory_space<semaphore_mem>>)
        %mul3A_157 = arith.constant 2 : i32
        %mul3A_158 = arith.muli %add3A_143, %mul3A_157 : i32
        %add3A_159 = arith.constant 1 : i32
        %add3A_160 = arith.addi %mul3A_158, %add3A_159 : i32
        %dma_start3A_161 = arith.constant 128 : i32
        %dma_start3A_162 = arith.constant 0 : i32
        %dma_start3A_163 = tpu.memref_slice %arg6[%dma_start3A_161, %dma_start3A_162] : memref<256x128xf32, #tpu.memory_space<vmem>> -> memref<128x128xf32, #tpu.memory_space<vmem>>
        %dma_start3A_164 = arith.constant 0 : i32
        %dma_start3A_165 = tpu.memref_slice %arg5[%add3A_160, %dma_start3A_164] : memref<200x128xi32, #tpu.memory_space<vmem>> -> memref<1x128xi32, #tpu.memory_space<vmem>>
        %dma_start3A_166 = tpu.memref_squeeze %dma_start3A_165 : memref<1x128xi32, #tpu.memory_space<vmem>> -> memref<128xi32, #tpu.memory_space<vmem>>
        %dma_start3A_167 = arith.constant 0 : i32
        %dma_start3A_168 = arith.constant 0 : i32
        %dma_start3A_169 = tpu.memref_slice %arg3[%dma_start3A_167, %dma_start3A_168] : memref<100000x128xf32, #tpu.memory_space<hbm>> -> memref<100000x128xf32, #tpu.memory_space<hbm>>
        tpu.enqueue_indirect_dma source(%dma_start3A_169 : memref<100000x128xf32, #tpu.memory_space<hbm>>) target(%dma_start3A_163 : memref<128x128xf32, #tpu.memory_space<vmem>>) offsets(%dma_start3A_166 : memref<128xi32, #tpu.memory_space<vmem>>) semaphore(%arg9 : memref<!tpu.dma_semaphore, #tpu.memory_space<semaphore_mem>>)
      } else {
      }
      %dma_wait3A_129 = arith.constant 0 : i32
      %dma_wait3A_130 = arith.constant 0 : i32
      %dma_wait3A_131 = tpu.memref_slice %arg4[%dma_wait3A_129, %dma_wait3A_130] : memref<819200x128xf32, #tpu.memory_space<hbm>> -> memref<256x128xf32, #tpu.memory_space<hbm>>
      %dma_wait3A_132 = arith.constant 0 : i32
      %dma_wait3A_133 = arith.constant 0 : i32
      %dma_wait3A_134 = tpu.memref_slice %arg4[%dma_wait3A_132, %dma_wait3A_133] : memref<819200x128xf32, #tpu.memory_space<hbm>> -> memref<256x128xf32, #tpu.memory_space<hbm>>
      tpu.wait_dma2 semaphore(%arg11 : memref<!tpu.dma_semaphore, #tpu.memory_space<semaphore_mem>>) src(%dma_wait3A_134 : memref<256x128xf32, #tpu.memory_space<hbm>>) dst(%arg8 : memref<256x128xf32, #tpu.memory_space<vmem>>)
      %mul3A_135 = arith.constant 256 : i32
      %mul3A_136 = arith.muli %add3A_116, %mul3A_135 : i32
      %add3A_137 = arith.addi %mul3A_2, %mul3A_136 : i32
      %dma_start3A_138 = arith.constant 0 : i32
      %dma_start3A_139 = tpu.memref_slice %arg4[%add3A_137, %dma_start3A_138] : memref<819200x128xf32, #tpu.memory_space<hbm>> -> memref<256x128xf32, #tpu.memory_space<hbm>>
      %dma_start3A_140 = arith.constant 0 : i32
      %dma_start3A_141 = tpu.memref_slice %arg4[%add3A_137, %dma_start3A_140] : memref<819200x128xf32, #tpu.memory_space<hbm>> -> memref<256x128xf32, #tpu.memory_space<hbm>>
      tpu.enqueue_dma source(%arg8 : memref<256x128xf32, #tpu.memory_space<vmem>>) target(%dma_start3A_141 : memref<256x128xf32, #tpu.memory_space<hbm>>) target_semaphore(%arg14 : memref<!tpu.dma_semaphore, #tpu.memory_space<semaphore_mem>>)
    }
    %scan3A_28 = arith.constant 33 : i32
    %dma_wait3A = arith.constant 0 : i32
    %dma_wait3A_29 = arith.constant 0 : i32
    %dma_wait3A_30 = tpu.memref_slice %arg4[%dma_wait3A, %dma_wait3A_29] : memref<819200x128xf32, #tpu.memory_space<hbm>> -> memref<256x128xf32, #tpu.memory_space<hbm>>
    %dma_wait3A_31 = arith.constant 0 : i32
    %dma_wait3A_32 = arith.constant 0 : i32
    %dma_wait3A_33 = tpu.memref_slice %arg4[%dma_wait3A_31, %dma_wait3A_32] : memref<819200x128xf32, #tpu.memory_space<hbm>> -> memref<256x128xf32, #tpu.memory_space<hbm>>
    tpu.wait_dma2 semaphore(%arg9 : memref<!tpu.dma_semaphore, #tpu.memory_space<semaphore_mem>>) src(%dma_wait3A_33 : memref<256x128xf32, #tpu.memory_space<hbm>>) dst(%arg6 : memref<256x128xf32, #tpu.memory_space<vmem>>)
    %add3A_34 = arith.constant 25344 : i32
    %add3A_35 = arith.addi %mul3A_2, %add3A_34 : i32
    %dma_start3A_36 = arith.constant 0 : i32
    %dma_start3A_37 = tpu.memref_slice %arg4[%add3A_35, %dma_start3A_36] : memref<819200x128xf32, #tpu.memory_space<hbm>> -> memref<256x128xf32, #tpu.memory_space<hbm>>
    %dma_start3A_38 = arith.constant 0 : i32
    %dma_start3A_39 = tpu.memref_slice %arg4[%add3A_35, %dma_start3A_38] : memref<819200x128xf32, #tpu.memory_space<hbm>> -> memref<256x128xf32, #tpu.memory_space<hbm>>
    tpu.enqueue_dma source(%arg6 : memref<256x128xf32, #tpu.memory_space<vmem>>) target(%dma_start3A_39 : memref<256x128xf32, #tpu.memory_space<hbm>>) target_semaphore(%arg12 : memref<!tpu.dma_semaphore, #tpu.memory_space<semaphore_mem>>)
    %dma_wait3A_40 = arith.constant 0 : i32
    %dma_wait3A_41 = arith.constant 0 : i32
    %dma_wait3A_42 = tpu.memref_slice %arg4[%dma_wait3A_40, %dma_wait3A_41] : memref<819200x128xf32, #tpu.memory_space<hbm>> -> memref<256x128xf32, #tpu.memory_space<hbm>>
    %dma_wait3A_43 = arith.constant 0 : i32
    %dma_wait3A_44 = arith.constant 0 : i32
    %dma_wait3A_45 = tpu.memref_slice %arg4[%dma_wait3A_43, %dma_wait3A_44] : memref<819200x128xf32, #tpu.memory_space<hbm>> -> memref<256x128xf32, #tpu.memory_space<hbm>>
    tpu.wait_dma2 semaphore(%arg13 : memref<!tpu.dma_semaphore, #tpu.memory_space<semaphore_mem>>) src(%arg7 : memref<256x128xf32, #tpu.memory_space<vmem>>) dst(%dma_wait3A_45 : memref<256x128xf32, #tpu.memory_space<hbm>>)
    %dma_wait3A_46 = arith.constant 0 : i32
    %dma_wait3A_47 = arith.constant 0 : i32
    %dma_wait3A_48 = tpu.memref_slice %arg4[%dma_wait3A_46, %dma_wait3A_47] : memref<819200x128xf32, #tpu.memory_space<hbm>> -> memref<256x128xf32, #tpu.memory_space<hbm>>
    %dma_wait3A_49 = arith.constant 0 : i32
    %dma_wait3A_50 = arith.constant 0 : i32
    %dma_wait3A_51 = tpu.memref_slice %arg4[%dma_wait3A_49, %dma_wait3A_50] : memref<819200x128xf32, #tpu.memory_space<hbm>> -> memref<256x128xf32, #tpu.memory_space<hbm>>
    tpu.wait_dma2 semaphore(%arg14 : memref<!tpu.dma_semaphore, #tpu.memory_space<semaphore_mem>>) src(%arg8 : memref<256x128xf32, #tpu.memory_space<vmem>>) dst(%dma_wait3A_51 : memref<256x128xf32, #tpu.memory_space<hbm>>)
    %dma_wait3A_52 = arith.constant 0 : i32
    %dma_wait3A_53 = arith.constant 0 : i32
    %dma_wait3A_54 = tpu.memref_slice %arg4[%dma_wait3A_52, %dma_wait3A_53] : memref<819200x128xf32, #tpu.memory_space<hbm>> -> memref<256x128xf32, #tpu.memory_space<hbm>>
    %dma_wait3A_55 = arith.constant 0 : i32
    %dma_wait3A_56 = arith.constant 0 : i32
    %dma_wait3A_57 = tpu.memref_slice %arg4[%dma_wait3A_55, %dma_wait3A_56] : memref<819200x128xf32, #tpu.memory_space<hbm>> -> memref<256x128xf32, #tpu.memory_space<hbm>>
    tpu.wait_dma2 semaphore(%arg12 : memref<!tpu.dma_semaphore, #tpu.memory_space<semaphore_mem>>) src(%arg6 : memref<256x128xf32, #tpu.memory_space<vmem>>) dst(%dma_wait3A_57 : memref<256x128xf32, #tpu.memory_space<hbm>>)
    return
  }
}

</mosaic_0001>

<sc_bundles>
// kernel: kernel.3.cloned.1.call-start
scs
__scs_entry_jumppad:
0x0: {  	(pc) =	sbr.rel $0x88, $3  }
0x1: {  	(tag) =	ssettag $0x0;
	lr =	simm.s32 $0x1  }
0x2: {  	[smem:$0x3F9F] =	sst lr;
	_ =	strace $0xD0000000  }
0x3: {  	_ = 	snop  }
0x4: {  	_ = 	snop  }
0x5: {  	_ = 	snop  }
0x6: {  	_ = 	snop  }
0x7: {  	_ = 	snop  }
__scs_overlays_trampoline_lowered:
0x8: {  	[smem:$0x3FAE] =	sst s0  }
0x9: {  	[smem:$0x3FAF] =	sst s1  }
0xa: {  	[smem:$0x3FB0] =	sst s2  }
0xb: {  	[smem:$0x3FB1] =	sst s3  }
0xc: {  	[smem:$0x3FB2] =	sst s4  }
0xd: {  	[smem:$0x3FB3] =	sst s5  }
0xe: {  	[smem:$0x3FB4] =	sst s6  }
0xf: {  	[smem:$0x3FB5] =	sst s7  }
0x10: {  	[smem:$0x3FB6] =	sst s8  }
0x11: {  	[smem:$0x3FB7] =	sst s9;
	s0 =	simm.s32 @!p0 $0x0  }
0x12: {  	s1 =	sld [smem:$0x3F9D];
	s0 =	simm.s32 @p0 $0x1  }
0x13: {  	[smem:$0x3FB8] =	sst s0;
	s0 =	simm.s32 @!p1 $0x0  }
0x14: {  	s2 =	sld [smem:$0x3F9C];
	s0 =	simm.s32 @p1 $0x1  }
0x15: {  	[smem:$0x3FB9] =	sst s0;
	s0 =	simm.s32 @!p2 $0x0  }
0x16: {  	s3 =	sld [smem:$0x3FDB];
	s0 =	simm.s32 @p2 $0x1  }
0x17: {  	s4 =	simm.s32 $0x1BF5;
	[smem:$0x3FBB] =	sst s0  }
0x18: {  	s0 =	sld [smem:$0x3F9E];
	_ =	swait.ge [sflag:s4], $0x0  }
0x19: {  	s7 =	sld [smem:$0x3F9F]  }
0x1a: {  	s8 =	sadd.s32 $0xFFFFE003, lr  }
0x1b: {  	s9 =	sadd.s32 $0xFFFFFEF7, lr;
	s5 =	simm.s32 $0xFFFFFFFF;
	p2 =	slt.u32 s8, $0xFFFFF086  }
0x1c: {  	p1 =	slt.u32 s9, $0xF7A;
	s5 =	simm.s32 @!p2 $0x0  }
0x1d: {  	s5 =	simm.s32 @p1 $0x1;
	p0 =	seq.s32 s7, s2  }
0x1e: {  	s7 =	smul.u32 @!p0 $0xF7A, s2;
	p2 =	seq.s32 @!p0 s5, $0x0  }
0x1f: {  	s9 =	smul.u32 $0xF7A, s1;
	s8 =	simm.s32 @!p0 $0x1BF5;
	p2 =	por !p2, p0  }
0x20: {  	[sflag:s8] =	ssyncset.s32 @!p0 $0xFFFFF086;
	s6 =	sadd.s32 @!p0 s3, s7;
	s7 =	simm.s32 @!p0 $0x108  }
0x21: {  	s3 =	sadd.s32 s3, s9;
	s6 =	sadd.s32 @!p0 $0x88, s6;
	s7 =	simm.s32 @p2 $0x1082  }
0x22: {  	[simem:s7], [sflag:s8] =	dma.local @!p0 [hbm:s6], $0xF7A  }
0x23: {  	s9 =	sor.u32 $0xD0000000, s2;
	s6 =	simm.s32 $0x108;
	_ =	swait.ge @!p0 [sflag:s8], $0x0  }
0x24: {  	s3 =	sadd.s32 $0x88, s3;
	s6 =	simm.s32 @!p1 $0x1082;
	[sflag:s4] =	ssyncset.s32 $0xFFFFF086  }
0x25: {  	[simem:s6], [sflag:s4] =	dma.local [hbm:s3], $0xF7A  }
0x26: {  	[smem:$0x3F9F] =	sst s1;
	(tag) =	ssettag s2;
	_ =	strace s9  }
0x27: {  	s1 =	sld [smem:$0x3FAF]  }
0x28: {  	s2 =	sld [smem:$0x3FB0]  }
0x29: {  	s4 =	sld [smem:$0x3FB2]  }
0x2a: {  	p0 =	seq.s32 s5, $0x0;
	s5 =	sld [smem:$0x3FB3]  }
0x2b: {  	s6 =	sld [smem:$0x3FB4]  }
0x2c: {  	s7 =	sld [smem:$0x3FB5]  }
0x2d: {  	s3 =	simm.s32 $0x108;
	s8 =	sld [smem:$0x3FB6]  }
0x2e: {  	s3 =	simm.s32 @!p0 $0x1082;
	s9 =	sld [smem:$0x3FB7]  }
0x2f: {  	lr =	sadd.s32 s0, s3;
	s0 =	sld [smem:$0x3FAE]  }
0x30: {  	s3 =	sld [smem:$0x3FB1]  }
0x31: {  	[smem:$0x3FBA] =	sst s10  }
0x32: {  	s10 =	sld [smem:$0x3FB8];
	_ =	sdelay $0x3  }
0x33: {  	p0 =	seq.s32 s10, $0x1;
	s10 =	sld [smem:$0x3FBA];
	_ =	sdelay $0x3  }
0x34: {  	[smem:$0x3FBA] =	sst s10  }
0x35: {  	s10 =	sld [smem:$0x3FB9];
	_ =	sdelay $0x3  }
0x36: {  	p1 =	seq.s32 s10, $0x1;
	s10 =	sld [smem:$0x3FBA];
	_ =	sdelay $0x3  }
0x37: {  	[smem:$0x3FBA] =	sst s10  }
0x38: {  	s10 =	sld [smem:$0x3FBB]  }
0x39: {  	_ = 	snop;
	(pc) =	sbr.ind lr, $3  }
0x3a: {  	_ = 	snop  }
0x3b: {  	_ = 	snop  }
0x3c: {  	p2 =	seq.s32 s10, $0x1;
	s10 =	sld [smem:$0x3FBA]  }
0x3d: {  	_ =	shalt  }
0x3e: {  	_ =	shalt  }
0x3f: {  	_ =	shalt  }
0x40: {  	_ =	shalt  }
0x41: {  	_ =	shalt  }
0x42: {  	_ =	shalt  }
0x43: {  	_ =	shalt  }
0x44: {  	_ =	shalt  }
0x45: {  	_ =	shalt  }
0x46: {  	_ =	shalt  }
0x47: {  	_ =	shalt  }
0x48: {  	_ =	shalt  }
0x49: {  	_ =	shalt  }
0x4a: {  	_ =	shalt  }
0x4b: {  	_ =	shalt  }
0x4c: {  	_ =	shalt  }
0x4d: {  	_ =	shalt  }
0x4e: {  	_ =	shalt  }
0x4f: {  	_ =	shalt  }
0x50: {  	_ =	shalt  }
0x51: {  	_ =	shalt  }
0x52: {  	_ =	shalt  }
0x53: {  	_ =	shalt  }
0x54: {  	_ =	shalt  }
0x55: {  	_ =	shalt  }
0x56: {  	_ =	shalt  }
0x57: {  	_ =	shalt  }
0x58: {  	_ =	shalt  }
0x59: {  	_ =	shalt  }
0x5a: {  	_ =	shalt  }
0x5b: {  	_ =	shalt  }
0x5c: {  	_ =	shalt  }
0x5d: {  	_ =	shalt  }
0x5e: {  	_ =	shalt  }
0x5f: {  	_ =	shalt  }
0x60: {  	_ =	shalt  }
0x61: {  	_ =	shalt  }
0x62: {  	_ =	shalt  }
0x63: {  	_ =	shalt  }
0x64: {  	_ =	shalt  }
0x65: {  	_ =	shalt  }
0x66: {  	_ =	shalt  }
0x67: {  	_ =	shalt  }
0x68: {  	_ =	shalt  }
0x69: {  	_ =	shalt  }
0x6a: {  	_ =	shalt  }
0x6b: {  	_ =	shalt  }
0x6c: {  	_ =	shalt  }
0x6d: {  	_ =	shalt  }
0x6e: {  	_ =	shalt  }
0x6f: {  	_ =	shalt  }
0x70: {  	_ =	shalt  }
0x71: {  	_ =	shalt  }
0x72: {  	_ =	shalt  }
0x73: {  	_ =	shalt  }
0x74: {  	_ =	shalt  }
0x75: {  	_ =	shalt  }
0x76: {  	_ =	shalt  }
0x77: {  	_ =	shalt  }
0x78: {  	_ =	shalt  }
0x79: {  	_ =	shalt  }
0x7a: {  	_ =	shalt  }
0x7b: {  	_ =	shalt  }
0x7c: {  	_ =	shalt  }
0x7d: {  	_ =	shalt  }
0x7e: {  	_ =	shalt  }
0x7f: {  	_ =	shalt  }
0x80: {  	_ =	shalt  }
0x81: {  	_ =	shalt  }
0x82: {  	_ =	shalt  }
0x83: {  	_ =	shalt  }
0x84: {  	_ =	shalt  }
0x85: {  	_ =	shalt  }
0x86: {  	_ =	shalt  }
0x87: {  	_ =	shalt  }
.Lfunc_end0:
.L_simem_size_0:
called_computation_lowered:
.L_overlay_start_0:
0x88: {  	s2 =	sld [smem:$0x3FD9]  }
0x89: {  	s3 =	sld [smem:$0x3FFE];
	_ =	sdelay $0x1  }
0x8a: {  	s1 =	srdreg.scid  }
0x8b: {  	s0 =	sand.u32 $0x1, s1  }
0x8c: {  	s17 =	sshll.u32 s0, $0xA;
	s2 =	sadd.s32 s3, s2  }
0x8d: {  	s2 =	sadd.s32 s2, s17  }
0x8e: {  	[smem:$0x3FC6] =	sst s2  }
0x8f: {  	_ = 	snop  }
0x90: {  	s2 =	sld [smem:$0x3FC8]  }
0x91: {  	s18 =	sld [smem:$0x3FD0];
	(tm) =	ssettm $0x1  }
0x92: {  	s4 =	sld [smem:$0x3FFB];
	_ =	sdelay $0x3  }
0x93: {  	_ =	strace s4  }
0x94: {  	s4 =	sld [smem:$0x3FFC];
	_ =	sdelay $0x3  }
0x95: {  	_ =	strace s4  }
0x96: {  	s4 =	sld [smem:$0x3FFD];
	_ =	sdelay $0x3  }
0x97: {  	_ =	strace s4  }
0x98: {  	_ =	strace $0x8FFFFFFF  }
0x99: {  	s19 =	sld [smem:$0x3FDB];
	_ =	sdelay $0x1  }
0x9a: {  	s5 =	simm.s32 $_scs_section_size  }
0x9b: {  	s6 =	simm.s32 $_size__tile_overlayer_lowered;
	s7 =	simm.s32 $_tile_overlayer_lowered  }
0x9c: {  	s22 =	simm.s32 $0x1BFF;
	s21 =	sshll.u32 s7, $0x1;
	s4 =	sadd.s32 s5, s19  }
0x9d: {  	s8 =	simm.s32 $0x0;
	s20 =	sshll.u32 s6, $0x1;
	s6 =	sadd.s32 s21, s4  }
0x9e: {  	[timem:s8], [sflag:s22] =	dma.local [hbm:s6], s20  }
0x9f: {  	_ =	swait.ge [sflag:s22], s20  }
0xa0: {  	s5 =	ssub.s32 $0x0, s20;
	[sflag:s22] =	ssyncset.done $0x0  }
0xa1: {  	[sflag:s22] =	ssyncadd.s32 s5;
	_ =	sdelay $0x1  }
0xa2: {  	s23 =	simm.s32 $0x1B8B  }
0xa3: {  	_ =	swait.ge [sflag:s23], $0x1  }
0xa4: {  	[sflag:s23] =	ssyncset.done $0x0  }
0xa5: {  	s25 =	simm.s32 $0x1B8E;
	s24 =	sld [smem:$0x3FFE];
	[sflag:s23] =	ssyncadd.s32 $0xFFFFFFFF  }
0xa6: {  	s26 =	simm.s32 $execute0_lowered;
	[smem:$0x3FD2] =	sst s25  }
0xa7: {  	s6 =	sshll.u32 s26, $0x1;
	_ =	strace $0x80000046;
	[dreg:$0x1] =	wrdreg $0xFFFFFFFF  }
0xa8: {  	s28 =	simm.s32 $_size_execute0_lowered;
	s4 =	sadd.s32 s4, s6;
	[dreg:$0x0] =	wrdreg $0x0  }
0xa9: {  	s6 =	sshll.u32 s28, $0x1;
	[dreg:$0x2] =	wrdreg s4  }
0xaa: {  	[dreg:$0x3] =	wrdreg s6  }
0xab: {  	[dreg:$0x4] =	wrdreg $0xC0  }
0xac: {  	_ =	task [dreg:s8], $0x5FFFF  }
0xad: {  	[dreg:$0x1] =	wrdreg $0xFFFFFFFF  }
0xae: {  	[dreg:$0x0] =	wrdreg $0x60  }
0xaf: {  	[dreg:$0x2] =	wrdreg s24  }
0xb0: {  	[dreg:$0x3] =	wrdreg s2  }
0xb1: {  	[dreg:$0x4] =	wrdreg s18  }
0xb2: {  	[dreg:$0x5] =	wrdreg $0x9  }
0xb3: {  	_ =	task.clear_ibuf [dreg:s8], $0x6FFFF;
	_ =	strace $0x90000046  }
0xb4: {  	s29 =	simm.s32 $0x9;
	_ =	strace $0x80000048  }
0xb5: {  	_ =	swait.ge [sflag:s29], $0x1  }
0xb6: {  	[sflag:s29] =	ssyncadd.s32 $0xFFFFFFFF  }
0xb7: {  	_ =	strace $0x90000048  }
0xb8: {  	_ =	sfence  }
0xb9: {  	s30 =	sld [smem:$0x0];
	_ =	sdelay $0x2  }
0xba: {  	s31 =	sshll.u32 s1, $0xD;
	s1 =	sshrl.u32 s1, $0x2  }
0xbb: {  	s3 =	sand.u32 $0x4000, s31;
	s1 =	sadd.s32 s1, s30  }
0xbc: {  	s0 =	sor.u32 s3, s0;
	s1 =	sshll.u32 s1, $0x11  }
0xbd: {  	s0 =	sor.u32 s1, s0  }
0xbe: {  	s0 =	sadd.s32 $0x8F2B, s0  }
0xbf: {  	[sflag:s0] =	ssyncadd.remote.s32 $0x1  }
0xc0: {  	_ =	sfence.sel $0xFFFF  }
0xc1: {  	[dreg:$0x0] =	wrdreg $0xFFFFFFFF;
	(pc) =	sbr.abs _section_cstart, $3  }
0xc2: {  	[dreg:$0x1] =	wrdreg $0xFFFFFFFF  }
0xc3: {  	_ =	task.clear_ibuf [dreg:s8], $0x2FFFF;
	_ =	strace $0x9FFFFFFF  }
0xc4: {  	(tm) =	ssettm $0x7FFFFFFF  }
0xc5: {  	_ =	shalt  }
tec
execute0_lowered:
.L_overlay_start_1:
0x0: {  	(tag) =	ssettag $0x1  }
0x1: {  	s0 =	rddreg [dreg:$0x0]  }
0x2: {  	s1 =	srdreg.scid;
	s2 =	rddreg [dreg:$0x1]  }
0x3: {  	s9 =	stileid.u32;
	s11 =	rddreg [dreg:$0x2];
	s14 =	simm.s32 $0x80  }
0x4: {  	s15 =	simm.s32 $0x6400;
	s16 =	simm.s32 $0xA400;
	s10 =	smul.u32 $0x640000, s9  }
0x5: {  	s18 =	simm.s32 $0xE400;
	s1 =	sand.u32 $0x1, s1;
	s13 =	smul.u32 $0xC8000, s9  }
0x6: {  	s28 =	simm.s32 $0x4;
	s3 =	sshll.u32 s9, $0x1;
	s12 =	smul.u32 $0x320000, s1  }
0x7: {  	s31 =	simm.s32 $0x3;
	s4 =	sor.u32 s1, s3;
	s25 =	smul.u32 $0x64000, s1  }
0x8: {  	s17 =	simm.s32 $0x0;
	s3 =	simm.s32 $0x0;
	s5 =	smul.u32 $0xC80, s4  }
0x9: {  	s6 =	ssub.s32 $0x2, s1;
	[smem:$0x7FF] =	sst s3;
	s7 =	smul.u32 $0x320000, s4  }
0xa: {  	s20 =	sshrl.u32 s6, $0x1;
	s22 =	smul.u32 $0x64000, s4;
	s29 =	sadd.s32 s13, s11  }
0xb: {  	s13 =	simm.s32 $0x7;
	_ =	strace $0x80000047;
	s6 =	ssub.s32 s6, s20  }
0xc: {  	s26 =	sadd.s32 s12, s10;
	s20 =	simm.s32 $0x12400;
	s0 =	sadd.s32 s5, s0  }
0xd: {  	s21 =	sshrl.u32 s7, $0x3;
	s6 =	smax.u32 s6, $0x1;
	s7 =	sadd.s32 s11, s22  }
0xe: {  	s12 =	sadd.s32 $0x28000, s26;
	s1 =	sadd.s32 $0x20000, s26;
	s26 =	simm.s32 $0x2  }
0xf: {  	s0 =	sadd.s32 $0x400, s0;
	s23 =	sadd.s32 s21, s11;
	s12 =	sshrl.u32 s12, $0x3  }
0x10: {  	s1 =	sshrl.u32 s1, $0x3;
	s21 =	simm.s32 $0x1;
	[dreg:$0x4] =	wrdreg s0  }
0x11: {  	s24 =	sadd.s32 $0x63000, s23;
	s8 =	sadd.s32 $0x1000, s23;
	s9 =	sadd.s32 $0x2000, s23  }
0x12: {  	s0 =	sadd.s32 s25, s29;
	s30 =	sadd.s32 s12, s11;
	s12 =	sadd.s32 s1, s11  }
0x13: {  	s23 =	simm.s32 $0x16400;
	s25 =	simm.s32 $0x1A400;
	s1 =	simm.s32 $0x5  }
0x14: {  	[dreg:$0x5] =	wrdreg s24;
	s10 =	sadd.s32 $0x3000, s0;
	s0 =	simm.s32 $0x6  }
.LBB2_1:
0x15: {  	s4 =	rddreg [dreg:$0x4]  }
0x16: {  	[tilespmem:s3], [sflag:$0x7] =	stream.linear.gather [hbm4b:s4+s3], $0x6400, $0x38;
	[tilespmem:$0x1E400] =	vst v63  }
0x17: {  	_ =	swait.ge [sflag:s13], $0x6400  }
0x18: {  	[sflag:s13] =	ssyncset.done $0x0  }
0x19: {  	[sflag:s13] =	ssyncadd.s32 $0xFFFF9C00  }
0x1a: {  	[tilespmem:s15], [sflag:$0x1] =	stream.indirect.gather [hbm4b:s2+s14], $0x80, s3, s14, $0xb8;
	[tilespmem:$0x1E400] =	vst v63  }
0x1b: {  	_ = 	snop  }
0x1c: {  	[tilespmem:s16], [sflag:$0x1] =	stream.indirect.gather [hbm4b:s2+s14], $0x80, s14, s14, $0xb8;
	[tilespmem:$0x1E400] =	vst v63  }
0x1d: {  	s24 =	simm.s32 $0x100  }
0x1e: {  	[tilespmem:s18], [sflag:$0x2] =	stream.indirect.gather [hbm4b:s2+s14], $0x80, s24, s14, $0xb8;
	[tilespmem:$0x1E400] =	vst v63  }
0x1f: {  	s5 =	simm.s32 $0x180  }
0x20: {  	[tilespmem:s20], [sflag:$0x2] =	stream.indirect.gather [hbm4b:s2+s14], $0x80, s5, s14, $0xb8;
	[tilespmem:$0x1E400] =	vst v63  }
0x21: {  	_ =	swait.ge [sflag:s21], $0x8000  }
0x22: {  	[sflag:s21] =	ssyncset.done $0x0  }
0x23: {  	[sflag:s21] =	ssyncadd.s32 $0xFFFF8000  }
0x24: {  	[hbm4b:s7+s3] =	stream.linear.scatter [tilespmem:s15], [sflag:$0x4], $0x8000, $0x38;
	[tilespmem:$0x1E400] =	vst v63  }
0x25: {  	s11 =	simm.s32 $0x200  }
0x26: {  	[tilespmem:s23], [sflag:$0x3] =	stream.indirect.gather [hbm4b:s2+s14], $0x80, s11, s14, $0xb8;
	[tilespmem:$0x1E400] =	vst v63  }
0x27: {  	s19 =	simm.s32 $0x280  }
0x28: {  	[tilespmem:s25], [sflag:$0x3] =	stream.indirect.gather [hbm4b:s2+s14], $0x80, s19, s14, $0xb8;
	[tilespmem:$0x1E400] =	vst v63  }
0x29: {  	_ =	swait.ge [sflag:s26], $0x8000  }
0x2a: {  	[sflag:s26] =	ssyncset.done $0x0  }
0x2b: {  	[sflag:s26] =	ssyncadd.s32 $0xFFFF8000  }
0x2c: {  	[hbm4b:s8+s3] =	stream.linear.scatter [tilespmem:s18], [sflag:$0x5], $0x8000, $0x38;
	[tilespmem:$0x1E400] =	vst v63  }
0x2d: {  	_ =	swait.ge [sflag:s28], $0x8000  }
0x2e: {  	[sflag:s28] =	ssyncset.done $0x0  }
0x2f: {  	s22 =	simm.s32 $0x300;
	[sflag:s28] =	ssyncadd.s32 $0xFFFF8000  }
0x30: {  	[tilespmem:s15], [sflag:$0x1] =	stream.indirect.gather [hbm4b:s2+s14], $0x80, s22, s14, $0xb8;
	[tilespmem:$0x1E400] =	vst v63  }
0x31: {  	s24 =	simm.s32 $0x380  }
0x32: {  	[tilespmem:s16], [sflag:$0x1] =	stream.indirect.gather [hbm4b:s2+s14], $0x80, s24, s14, $0xb8;
	[tilespmem:$0x1E400] =	vst v63  }
0x33: {  	_ =	swait.ge [sflag:s31], $0x8000  }
0x34: {  	[sflag:s31] =	ssyncset.done $0x0  }
0x35: {  	[sflag:s31] =	ssyncadd.s32 $0xFFFF8000  }
0x36: {  	[hbm4b:s9+s3] =	stream.linear.scatter [tilespmem:s23], [sflag:$0x6], $0x8000, $0x38;
	[tilespmem:$0x1E400] =	vst v63  }
0x37: {  	_ =	swait.ge [sflag:s1], $0x8000  }
0x38: {  	[sflag:s1] =	ssyncset.done $0x0  }
0x39: {  	s11 =	simm.s32 $0x400;
	[sflag:s1] =	ssyncadd.s32 $0xFFFF8000  }
0x3a: {  	[tilespmem:s18], [sflag:$0x2] =	stream.indirect.gather [hbm4b:s2+s14], $0x80, s11, s14, $0xb8;
	[tilespmem:$0x1E400] =	vst v63  }
0x3b: {  	s4 =	simm.s32 $0x480  }
0x3c: {  	[tilespmem:s20], [sflag:$0x2] =	stream.indirect.gather [hbm4b:s2+s14], $0x80, s4, s14, $0xb8;
	[tilespmem:$0x1E400] =	vst v63  }
0x3d: {  	_ =	swait.ge [sflag:s21], $0x8000  }
0x3e: {  	[sflag:s21] =	ssyncset.done $0x0  }
0x3f: {  	[sflag:s21] =	ssyncadd.s32 $0xFFFF8000  }
0x40: {  	[hbm4b:s10+s3] =	stream.linear.scatter [tilespmem:s15], [sflag:$0x4], $0x8000, $0x38;
	[tilespmem:$0x1E400] =	vst v63  }
0x41: {  	_ =	swait.ge [sflag:s0], $0x8000  }
0x42: {  	[sflag:s0] =	ssyncset.done $0x0  }
0x43: {  	s5 =	simm.s32 $0x500;
	[sflag:s0] =	ssyncadd.s32 $0xFFFF8000  }
0x44: {  	[tilespmem:s23], [sflag:$0x3] =	stream.indirect.gather [hbm4b:s2+s14], $0x80, s5, s14, $0xb8;
	[tilespmem:$0x1E400] =	vst v63  }
0x45: {  	s19 =	simm.s32 $0x580  }
0x46: {  	[tilespmem:s25], [sflag:$0x3] =	stream.indirect.gather [hbm4b:s2+s14], $0x80, s19, s14, $0xb8;
	[tilespmem:$0x1E400] =	vst v63  }
0x47: {  	_ =	swait.ge [sflag:s26], $0x8000  }
0x48: {  	[sflag:s26] =	ssyncset.done $0x0  }
0x49: {  	[sflag:s26] =	ssyncadd.s32 $0xFFFF8000  }
0x4a: {  	[hbm4b:s12+s3] =	stream.linear.scatter [tilespmem:s18], [sflag:$0x5], $0x8000, $0x38;
	[tilespmem:$0x1E400] =	vst v63  }
0x4b: {  	_ =	swait.ge [sflag:s28], $0x8000  }
0x4c: {  	[sflag:s28] =	ssyncset.done $0x0  }
0x4d: {  	s22 =	simm.s32 $0x600;
	[sflag:s28] =	ssyncadd.s32 $0xFFFF8000  }
0x4e: {  	[tilespmem:s15], [sflag:$0x1] =	stream.indirect.gather [hbm4b:s2+s14], $0x80, s22, s14, $0xb8;
	[tilespmem:$0x1E400] =	vst v63  }
0x4f: {  	s24 =	simm.s32 $0x680  }
0x50: {  	[tilespmem:s16], [sflag:$0x1] =	stream.indirect.gather [hbm4b:s2+s14], $0x80, s24, s14, $0xb8;
	[tilespmem:$0x1E400] =	vst v63  }
0x51: {  	s29 =	sadd.s32 $0x3000, s30;
	_ =	swait.ge [sflag:s31], $0x8000  }
0x52: {  	s11 =	smov.u32 s30;
	s19 =	simm.s32 $0xC00;
	[sflag:s31] =	ssyncset.done $0x0  }
0x53: {  	s22 =	sadd.s32 $0x3000, s12;
	s24 =	sadd.s32 $0x3000, s10;
	[sflag:s31] =	ssyncadd.s32 $0xFFFF8000  }
.LBB2_2:
0x54: {  	[hbm4b:s11+s3] =	stream.linear.scatter [tilespmem:s23], [sflag:$0x6], $0x8000, $0x38;
	[tilespmem:$0x1E400] =	vst v63  }
0x55: {  	s4 =	smov.u32 s19;
	s11 =	smov.u32 s29  }
0x56: {  	p0 =	sne.s32 s19, $0x17400;
	s19 =	sadd.s32 $0xC00, s19;
	_ =	swait.ge [sflag:s1], $0x8000  }
0x57: {  	s4 =	sshra.s32 s4, $0x2;
	[sflag:s1] =	ssyncset.done $0x0  }
0x58: {  	s5 =	sadd.s32 $0x400, s4;
	[sflag:s1] =	ssyncadd.s32 $0xFFFF8000  }
0x59: {  	[tilespmem:s18], [sflag:$0x2] =	stream.indirect.gather [hbm4b:s2+s14], $0x80, s5, s14, $0xb8;
	[tilespmem:$0x1E400] =	vst v63  }
0x5a: {  	s5 =	sadd.s32 $0x480, s4  }
0x5b: {  	[tilespmem:s20], [sflag:$0x2] =	stream.indirect.gather [hbm4b:s2+s14], $0x80, s5, s14, $0xb8;
	[tilespmem:$0x1E400] =	vst v63  }
0x5c: {  	_ =	swait.ge [sflag:s21], $0x8000  }
0x5d: {  	[sflag:s21] =	ssyncset.done $0x0  }
0x5e: {  	[sflag:s21] =	ssyncadd.s32 $0xFFFF8000  }
0x5f: {  	[hbm4b:s24+s3] =	stream.linear.scatter [tilespmem:s15], [sflag:$0x4], $0x8000, $0x38;
	[tilespmem:$0x1E400] =	vst v63  }
0x60: {  	_ =	swait.ge [sflag:s0], $0x8000  }
0x61: {  	[sflag:s0] =	ssyncset.done $0x0  }
0x62: {  	s5 =	sadd.s32 $0x500, s4;
	[sflag:s0] =	ssyncadd.s32 $0xFFFF8000  }
0x63: {  	[tilespmem:s23], [sflag:$0x3] =	stream.indirect.gather [hbm4b:s2+s14], $0x80, s5, s14, $0xb8;
	[tilespmem:$0x1E400] =	vst v63  }
0x64: {  	s5 =	sadd.s32 $0x580, s4  }
0x65: {  	[tilespmem:s25], [sflag:$0x3] =	stream.indirect.gather [hbm4b:s2+s14], $0x80, s5, s14, $0xb8;
	[tilespmem:$0x1E400] =	vst v63  }
0x66: {  	_ =	swait.ge [sflag:s26], $0x8000  }
0x67: {  	[sflag:s26] =	ssyncset.done $0x0  }
0x68: {  	[sflag:s26] =	ssyncadd.s32 $0xFFFF8000  }
0x69: {  	[hbm4b:s22+s3] =	stream.linear.scatter [tilespmem:s18], [sflag:$0x5], $0x8000, $0x38;
	[tilespmem:$0x1E400] =	vst v63  }
0x6a: {  	_ =	swait.ge [sflag:s28], $0x8000  }
0x6b: {  	[sflag:s28] =	ssyncset.done $0x0  }
0x6c: {  	s5 =	sadd.s32 $0x600, s4;
	[sflag:s28] =	ssyncadd.s32 $0xFFFF8000  }
0x6d: {  	[tilespmem:s15], [sflag:$0x1] =	stream.indirect.gather [hbm4b:s2+s14], $0x80, s5, s14, $0xb8;
	[tilespmem:$0x1E400] =	vst v63  }
.Ltmp0:
0x6e: {  	s4 =	sadd.s32 $0x680, s4;
	(pc) =	sbr.rel @p0 .LBB2_2-.Ltmp0, $4  }
0x6f: {  	[tilespmem:s16], [sflag:$0x1] =	stream.indirect.gather [hbm4b:s2+s14], $0x80, s4, s14, $0xb8;
	[tilespmem:$0x1E400] =	vst v63  }
0x70: {  	_ =	swait.ge [sflag:s31], $0x8000  }
0x71: {  	s22 =	sadd.s32 $0x3000, s22;
	[sflag:s31] =	ssyncset.done $0x0  }
0x72: {  	s29 =	sadd.s32 $0x3000, s29;
	s24 =	sadd.s32 $0x3000, s24;
	[sflag:s31] =	ssyncadd.s32 $0xFFFF8000  }
0x73: {  	[hbm4b:s11+s3] =	stream.linear.scatter [tilespmem:s23], [sflag:$0x6], $0x8000, $0x38;
	[tilespmem:$0x1E400] =	vst v63  }
0x74: {  	_ =	swait.ge [sflag:s21], $0x8000  }
0x75: {  	[sflag:s21] =	ssyncset.done $0x0  }
0x76: {  	s4 =	rddreg [dreg:$0x5];
	[sflag:s21] =	ssyncadd.s32 $0xFFFF8000  }
0x77: {  	[hbm4b:s4+s3] =	stream.linear.scatter [tilespmem:s15], [sflag:$0x4], $0x8000, $0x38;
	[tilespmem:$0x1E400] =	vst v63  }
0x78: {  	_ =	swait.ge [sflag:s1], $0x8000  }
0x79: {  	[sflag:s1] =	ssyncset.done $0x0  }
0x7a: {  	s17 =	sadd.s32 $0x1, s17;
	[sflag:s1] =	ssyncadd.s32 $0xFFFF8000  }
0x7b: {  	p0 =	sne.s32 s17, s6;
	_ =	swait.ge [sflag:s0], $0x8000  }
.Ltmp1:
0x7c: {  	[sflag:s0] =	ssyncset.done $0x0;
	(pc) =	sbr.rel @p0 .LBB2_1-.Ltmp1, $4  }
0x7d: {  	[sflag:s0] =	ssyncadd.s32 $0xFFFF8000  }
0x7e: {  	_ =	swait.ge [sflag:s28], $0x8000  }
0x7f: {  	[sflag:s28] =	ssyncset.done $0x0  }
0x80: {  	[sflag:s28] =	ssyncadd.s32 $0xFFFF8000  }
0x81: {  	_ =	sfence.sel $0x180000  }
0x82: {  	[bflag:$0x0] =	sbarrier.arrive $0xFFFF  }
0x83: {  	_ =	strace $0x90000047  }
0x84: {  	s0 =	stileid.u32;
	[bflag:$0x2] =	sbarrier.arrive $0xFFFF  }
0x85: {  	p0 =	sne.s32 s0, $0x0;
	s0 =	rddreg [dreg:$0x3]  }
0x86: {  	s0 =	sadd.s32 @!p0 $0x100000, s0  }
0x87: {  	[sflag:s0] =	ssyncadd.tile.s32 @!p0 $0x1;
	_ =	shalt  }
.Lfunc_end2:
_tile_overlayer_lowered:
.L_overlay_start_2:
0x88: {  	(tag) =	ssettag $0x2  }
0x89: {  	s0 =	rddreg [dreg:$0x0];
	s2 =	stileid.u32  }
0x8a: {  	s1 =	rddreg [dreg:$0x1];
	p0 =	sne.s32 s2, $0x0  }
0x8b: {  	s3 =	rddreg [dreg:$0x2];
	[bflag:$0x3] =	sbarrier.arrive $0xFFFF;
	s2 =	simm.s32 @!p0 $0x1C07  }
0x8c: {  	[timem:s3], [sflag:s2] =	dma.local @!p0 [hbm:s0], s1  }
0x8d: {  	s0 =	simm.s32 @!p0 $0x7  }
0x8e: {  	_ =	swait.ge @!p0 [sflag:s0], s1  }
0x8f: {  	s1 =	ssub.s32 @!p0 $0x0, s1;
	[sflag:s0] =	ssyncset.done @!p0 $0x0  }
0x90: {  	[sflag:s0] =	ssyncadd.s32 @!p0 s1  }
0x91: {  	[bflag:$0x3] =	sbarrier.arrive $0xFFFF  }
0x92: {  	_ =	shalt  }

</sc_bundles>
